<compile_context>
chip_gen: v7x
topology: tpu7x:2x2x1
jax: 0.10.2.dev20260603
libtpu: 0.0.44.dev20260713+nightly
codegen_flags: <defaults>
</compile_context>

<pallas_src>
import functools

import jax
import jax.numpy as jnp
from jax import lax
from jax.experimental import pallas as pl
from jax.experimental.pallas import tpu as pltpu
from jax.experimental.pallas import tpu_sc as plsc

BATCH = 16384
DU = 64
DL = 32
H = 128
NC = 2
NS = 16
NW = NC * NS
B_PER_W = BATCH // NW

NUSERS = 1000000
CBLK = 16384
NCB = 16
OFF = NCB * CBLK
_LAST_BLK = (NUSERS - 1) // CBLK


def _bits16(x):
    b = lax.bitcast_convert_type(x.astype(jnp.bfloat16), jnp.uint16)
    return b.astype(jnp.uint32)


def _conv_body(q0_ref, q1_ref, q2_ref, q3_ref, out_ref):
    w01 = (_bits16(q0_ref[...]) << 16) | _bits16(q1_ref[...])
    w23 = (_bits16(q2_ref[...]) << 16) | _bits16(q3_ref[...])
    packed = jnp.concatenate([w01.T, w23.T], axis=1)
    out_ref[...] = lax.bitcast_convert_type(packed, jnp.float32)


def _tc_convert(tableT):
    return pl.pallas_call(
        _conv_body,
        grid=(NCB,),
        in_specs=[
            pl.BlockSpec((DU, CBLK), lambda i: (0, i)),
            pl.BlockSpec((DU, CBLK), lambda i: (0, i + NCB)),
            pl.BlockSpec((DU, CBLK), lambda i: (0, i + 2 * NCB)),
            pl.BlockSpec((DU, CBLK),
                         lambda i: (0, jnp.minimum(i + 3 * NCB, _LAST_BLK))),
        ],
        out_specs=pl.BlockSpec((CBLK, 2 * DU), lambda i: (i, 0)),
        out_shape=jax.ShapeDtypeStruct((OFF, 2 * DU), jnp.float32),
        compiler_params=pltpu.CompilerParams(
            vmem_limit_bytes=100 * 1024 * 1024),
    )(tableT, tableT, tableT, tableT)


@functools.lru_cache(maxsize=None)
def _make_sc_gather():
    mesh = plsc.VectorSubcoreMesh(
        core_axis_name="c", subcore_axis_name="s", num_cores=NC,
        num_subcores=NS,
    )

    @functools.partial(
        pl.kernel,
        out_type=jax.ShapeDtypeStruct((BATCH, 2 * DU), jnp.float32),
        mesh=mesh,
        scratch_types=[
            pltpu.VMEM((B_PER_W,), jnp.int32),
            pltpu.VMEM((B_PER_W, 2 * DU), jnp.float32),
            pltpu.SemaphoreType.DMA,
        ],
    )
    def _sc_gather(table_hbm, idx_hbm, out_hbm, idx_v, rows_v, sem):
        wid = lax.axis_index("s") * NC + lax.axis_index("c")
        base = wid * B_PER_W
        pltpu.sync_copy(idx_hbm.at[pl.ds(base, B_PER_W)], idx_v)
        pltpu.async_copy(table_hbm.at[idx_v], rows_v, sem).wait()
        pltpu.sync_copy(rows_v, out_hbm.at[pl.ds(base, B_PER_W)])

    return _sc_gather


BLK = 2048


def _mlp_body(u2_ref, q_ref, lid_ref, stats_ref, lt_ref, w1_ref, b1_ref,
              w2_ref, b2_ref, out_ref):
    bits = lax.bitcast_convert_type(u2_ref[...], jnp.uint32)
    q = q_ref[...]
    halfw = jnp.where(q >= 2, bits[:, DU:2 * DU], bits[:, 0:DU])
    vb = jnp.where((q & 1) == 0, halfw & jnp.uint32(0xFFFF0000),
                   halfw << 16)
    u = lax.bitcast_convert_type(vb, jnp.float32)
    acc = jnp.dot(u, w1_ref[0:DU, :], preferred_element_type=jnp.float32)

    lid = lid_ref[...]
    iota = lax.broadcasted_iota(jnp.int32, (BLK, H), 1)
    onehot = jnp.where(iota == lid, 1.0, 0.0)
    lp = jnp.dot(lt_ref[...], w1_ref[DU:DU + DL, :],
                 preferred_element_type=jnp.float32)
    acc = acc + jnp.dot(onehot, lp, preferred_element_type=jnp.float32)

    s = stats_ref[...]
    acc = acc + s[:, 0:1] * w1_ref[DU + DL:DU + DL + 1, :]
    acc = acc + s[:, 1:2] * w1_ref[DU + DL + 1:DU + DL + 2, :]

    h = jnp.maximum(acc + b1_ref[...], 0.0)
    out_ref[...] = (
        jnp.dot(h, w2_ref[...], preferred_element_type=jnp.float32)
        + b2_ref[...]
    )


def _tc_mlp(u2, par2, lid2, stats, lt_pad, W1, b1, W2, b2):
    nblk = BATCH // BLK
    grid = (nblk,)
    return pl.pallas_call(
        _mlp_body,
        grid=grid,
        in_specs=[
            pl.BlockSpec((BLK, 2 * DU), lambda i: (i, 0)),
            pl.BlockSpec((BLK, 1), lambda i: (i, 0)),
            pl.BlockSpec((BLK, 1), lambda i: (i, 0)),
            pl.BlockSpec((BLK, 2), lambda i: (i, 0)),
            pl.BlockSpec((H, DL), lambda i: (0, 0)),
            pl.BlockSpec((DU + DL + 2, H), lambda i: (0, 0)),
            pl.BlockSpec((1, H), lambda i: (0, 0)),
            pl.BlockSpec((H, H), lambda i: (0, 0)),
            pl.BlockSpec((1, H), lambda i: (0, 0)),
        ],
        out_specs=pl.BlockSpec((BLK, H), lambda i: (i, 0)),
        out_shape=jax.ShapeDtypeStruct((BATCH, H), jnp.float32),
    )(u2, par2, lid2, stats, lt_pad, W1, b1, W2, b2)


def kernel(user_ids, lang_ids, stats, user_table, lang_table, W1, b1, W2, b2):
    ids = user_ids.astype(jnp.int32)
    packed = _tc_convert(user_table.T)
    q = ids // OFF
    row = ids - q * OFF
    u2 = _make_sc_gather()(packed, row)
    par2 = q.reshape(-1, 1)
    lt_pad = jnp.pad(lang_table, ((0, H - lang_table.shape[0]), (0, 0)))
    lid2 = lang_ids.astype(jnp.int32).reshape(-1, 1)
    return _tc_mlp(u2, par2, lid2, stats, lt_pad, W1, b1.reshape(1, -1), W2,
                   b2.reshape(1, -1))

# --- scband reference (transcript-rebuilt; emitter-appended) ---
"""Pipeline reference for scband-user-tower-19310172963531 (READ-ONLY COPY).

The authoritative reference and input builder live on the scoring server;
editing this copy changes nothing except your own understanding.
"""

import jax, jax.numpy as jnp
import numpy as np

NUM_USERS = 1000000
NUM_LANGS = 100
BATCH = 16384


def setup_inputs(seed: int = 0) -> dict:
    key = jax.random.key(seed)
    ks = jax.random.split(key, 9)
    user_ids = jax.random.randint(ks[0], (BATCH,), 0, NUM_USERS, dtype=jnp.int64 if jax.config.jax_enable_x64 else jnp.int32)
    lang_ids = jax.random.randint(ks[1], (BATCH,), 0, NUM_LANGS, dtype=jnp.int64 if jax.config.jax_enable_x64 else jnp.int32)
    stats = jax.random.normal(ks[2], (BATCH, 2), dtype=jnp.float32)
    user_table = jax.random.normal(ks[3], (NUM_USERS, 64), dtype=jnp.float32) * 0.05
    lang_table = jax.random.normal(ks[4], (NUM_LANGS, 32), dtype=jnp.float32) * 0.05
    W1 = jax.random.normal(ks[5], (64 + 32 + 2, 128), dtype=jnp.float32) * (1.0 / np.sqrt(98))
    b1 = jnp.zeros((128,), dtype=jnp.float32)
    W2 = jax.random.normal(ks[6], (128, 128), dtype=jnp.float32) * (1.0 / np.sqrt(128))
    b2 = jnp.zeros((128,), dtype=jnp.float32)
    return {"user_ids": user_ids, "lang_ids": lang_ids, "stats": stats,
            "user_table": user_table, "lang_table": lang_table,
            "W1": W1, "b1": b1, "W2": W2, "b2": b2}


def reference(user_ids, lang_ids, stats, user_table, lang_table, W1, b1, W2, b2):
    u = jnp.take(user_table, user_ids, axis=0)
    l = jnp.take(lang_table, lang_ids, axis=0)
    x = jnp.concatenate([u, l, stats], axis=1)
    h = jax.nn.relu(x @ W1 + b1)
    return h @ W2 + b2

if __name__ == "__main__":
    import jax
    _d = setup_inputs()
    print(jax.jit(kernel)(*tuple(_d.values())))

</pallas_src>

<mosaic_0001>
#map = affine_map<(d0, d1) -> (0, 0)>
#map1 = affine_map<(d0, d1) -> (0)>
module attributes {stable_mosaic.version = 14 : i64} {
  func.func @_sc_gather(%arg0: i32, %arg1: i32, %arg2: memref<262144x128xf32, #tpu.memory_space<hbm>>, %arg3: memref<16384xi32, #tpu.memory_space<hbm>>, %arg4: memref<16384x128xf32, #tpu.memory_space<hbm>>, %arg5: memref<512xi32, #tpu.memory_space<vmem>>, %arg6: memref<512x128xf32, #tpu.memory_space<vmem>>, %arg7: memref<!tpu.dma_semaphore, #tpu.memory_space<semaphore_mem>>) attributes {dimension_semantics = [#tpu.dimension_semantics<core_parallel>, #tpu.dimension_semantics<subcore_parallel>], iteration_bounds = array<i64: 2, 16>, scalar_prefetch = 0 : i64, scratch_operands = 3 : i64, tpu.core_type = #tpu.core_type<sc_vector_subcore>, window_params = [{transform_indices = #map}, {transform_indices = #map1}, {transform_indices = #map}]} {
    %mul3A = arith.constant 2 : i32
    %mul3A_0 = arith.muli %arg1, %mul3A : i32
    %add3A = arith.addi %mul3A_0, %arg0 : i32
    %mul3A_1 = arith.constant 512 : i32
    %mul3A_2 = arith.muli %add3A, %mul3A_1 : i32
    "tpu.region"() ({
      %run_scoped3A = tpu.sem_alloc : memref<!tpu.dma_semaphore, #tpu.memory_space<semaphore_mem>>
      %dma_start3A_7 = tpu.memref_slice %arg3[%mul3A_2] : memref<16384xi32, #tpu.memory_space<hbm>> -> memref<512xi32, #tpu.memory_space<hbm>>
      %dma_start3A_8 = tpu.memref_slice %arg3[%mul3A_2] : memref<16384xi32, #tpu.memory_space<hbm>> -> memref<512xi32, #tpu.memory_space<hbm>>
      tpu.enqueue_dma source(%dma_start3A_8 : memref<512xi32, #tpu.memory_space<hbm>>) target(%arg5 : memref<512xi32, #tpu.memory_space<vmem>>) target_semaphore(%run_scoped3A : memref<!tpu.dma_semaphore, #tpu.memory_space<semaphore_mem>>)
      %dma_wait3A_9 = tpu.memref_slice %arg3[%mul3A_2] : memref<16384xi32, #tpu.memory_space<hbm>> -> memref<512xi32, #tpu.memory_space<hbm>>
      %dma_wait3A_10 = tpu.memref_slice %arg3[%mul3A_2] : memref<16384xi32, #tpu.memory_space<hbm>> -> memref<512xi32, #tpu.memory_space<hbm>>
      tpu.wait_dma2 semaphore(%run_scoped3A : memref<!tpu.dma_semaphore, #tpu.memory_space<semaphore_mem>>) src(%dma_wait3A_10 : memref<512xi32, #tpu.memory_space<hbm>>) dst(%arg5 : memref<512xi32, #tpu.memory_space<vmem>>)
      tpu.yield
    }) : () -> ()
    %dma_start3A = arith.constant 0 : i32
    %dma_start3A_3 = arith.constant 0 : i32
    %dma_start3A_4 = tpu.memref_slice %arg2[%dma_start3A, %dma_start3A_3] : memref<262144x128xf32, #tpu.memory_space<hbm>> -> memref<262144x128xf32, #tpu.memory_space<hbm>>
    tpu.enqueue_indirect_dma source(%dma_start3A_4 : memref<262144x128xf32, #tpu.memory_space<hbm>>) target(%arg6 : memref<512x128xf32, #tpu.memory_space<vmem>>) offsets(%arg5 : memref<512xi32, #tpu.memory_space<vmem>>) semaphore(%arg7 : memref<!tpu.dma_semaphore, #tpu.memory_space<semaphore_mem>>)
    %dma_wait3A = arith.constant 0 : i32
    %dma_wait3A_5 = arith.constant 0 : i32
    %dma_wait3A_6 = tpu.memref_slice %arg2[%dma_wait3A, %dma_wait3A_5] : memref<262144x128xf32, #tpu.memory_space<hbm>> -> memref<262144x128xf32, #tpu.memory_space<hbm>>
    tpu.wait_indirect_dma semaphore(%arg7 : memref<!tpu.dma_semaphore, #tpu.memory_space<semaphore_mem>>) src(%dma_wait3A_6 : memref<262144x128xf32, #tpu.memory_space<hbm>>) dst(%arg6 : memref<512x128xf32, #tpu.memory_space<vmem>>)
    "tpu.region"() ({
      %run_scoped3A = tpu.sem_alloc : memref<!tpu.dma_semaphore, #tpu.memory_space<semaphore_mem>>
      %dma_start3A_7 = arith.constant 0 : i32
      %dma_start3A_8 = tpu.memref_slice %arg4[%mul3A_2, %dma_start3A_7] : memref<16384x128xf32, #tpu.memory_space<hbm>> -> memref<512x128xf32, #tpu.memory_space<hbm>>
      %dma_start3A_9 = arith.constant 0 : i32
      %dma_start3A_10 = tpu.memref_slice %arg4[%mul3A_2, %dma_start3A_9] : memref<16384x128xf32, #tpu.memory_space<hbm>> -> memref<512x128xf32, #tpu.memory_space<hbm>>
      tpu.enqueue_dma source(%arg6 : memref<512x128xf32, #tpu.memory_space<vmem>>) target(%dma_start3A_10 : memref<512x128xf32, #tpu.memory_space<hbm>>) target_semaphore(%run_scoped3A : memref<!tpu.dma_semaphore, #tpu.memory_space<semaphore_mem>>)
      %dma_wait3A_11 = arith.constant 0 : i32
      %dma_wait3A_12 = tpu.memref_slice %arg4[%mul3A_2, %dma_wait3A_11] : memref<16384x128xf32, #tpu.memory_space<hbm>> -> memref<512x128xf32, #tpu.memory_space<hbm>>
      %dma_wait3A_13 = arith.constant 0 : i32
      %dma_wait3A_14 = tpu.memref_slice %arg4[%mul3A_2, %dma_wait3A_13] : memref<16384x128xf32, #tpu.memory_space<hbm>> -> memref<512x128xf32, #tpu.memory_space<hbm>>
      tpu.wait_dma2 semaphore(%run_scoped3A : memref<!tpu.dma_semaphore, #tpu.memory_space<semaphore_mem>>) src(%arg6 : memref<512x128xf32, #tpu.memory_space<vmem>>) dst(%dma_wait3A_14 : memref<512x128xf32, #tpu.memory_space<hbm>>)
      tpu.yield
    }) : () -> ()
    return
  }
}

module attributes {stable_mosaic.version = 14 : i64} {
  func.func @_conv_body(%arg0: i32, %arg1: memref<64x16384xf32, #tpu.memory_space<vmem>>, %arg2: memref<64x16384xf32, #tpu.memory_space<vmem>>, %arg3: memref<64x16384xf32, #tpu.memory_space<vmem>>, %arg4: memref<64x16384xf32, #tpu.memory_space<vmem>>, %arg5: memref<16384x128xf32, #tpu.memory_space<vmem>>) attributes {dimension_semantics = [#tpu.dimension_semantics<arbitrary>], iteration_bounds = array<i64: 16>, scalar_prefetch = 0 : i64, scratch_operands = 0 : i64, tpu.core_type = #tpu.core_type<tc>, window_params = [{transform_indices = @transform_0, window_bounds = array<i64: 64, 16384>}, {transform_indices = @transform_1, window_bounds = array<i64: 64, 16384>}, {transform_indices = @transform_2, window_bounds = array<i64: 64, 16384>}, {transform_indices = @transform_3, window_bounds = array<i64: 64, 16384>}, {transform_indices = @transform_4, window_bounds = array<i64: 16384, 128>}]} {
    %get3A = arith.constant 0 : index
    %get3A_0 = arith.constant 0 : index
    %get3A_1 = vector.load %arg1[%get3A, %get3A_0] : memref<64x16384xf32, #tpu.memory_space<vmem>>, vector<64x16384xf32>
    %convert_element_type3A = arith.truncf %get3A_1 : vector<64x16384xf32> to vector<64x16384xbf16>
    %bitcast_convert_type3A = tpu.bitcast %convert_element_type3A : vector<64x16384xbf16> -> vector<64x16384xi16>
    %convert_element_type3A_2 = arith.extui %bitcast_convert_type3A : vector<64x16384xi16> to vector<64x16384xi32>
    %shift_left3A = arith.constant 16 : i32
    %shift_left3A_3 = vector.broadcast %shift_left3A : i32 to vector<64x16384xi32>
    %shift_left3A_4 = arith.shli %convert_element_type3A_2, %shift_left3A_3 : vector<64x16384xi32>
    %get3A_5 = arith.constant 0 : index
    %get3A_6 = arith.constant 0 : index
    %get3A_7 = vector.load %arg2[%get3A_5, %get3A_6] : memref<64x16384xf32, #tpu.memory_space<vmem>>, vector<64x16384xf32>
    %convert_element_type3A_8 = arith.truncf %get3A_7 : vector<64x16384xf32> to vector<64x16384xbf16>
    %bitcast_convert_type3A_9 = tpu.bitcast %convert_element_type3A_8 : vector<64x16384xbf16> -> vector<64x16384xi16>
    %convert_element_type3A_10 = arith.extui %bitcast_convert_type3A_9 : vector<64x16384xi16> to vector<64x16384xi32>
    %or3A = arith.ori %shift_left3A_4, %convert_element_type3A_10 : vector<64x16384xi32>
    %get3A_11 = arith.constant 0 : index
    %get3A_12 = arith.constant 0 : index
    %get3A_13 = vector.load %arg3[%get3A_11, %get3A_12] : memref<64x16384xf32, #tpu.memory_space<vmem>>, vector<64x16384xf32>
    %convert_element_type3A_14 = arith.truncf %get3A_13 : vector<64x16384xf32> to vector<64x16384xbf16>
    %bitcast_convert_type3A_15 = tpu.bitcast %convert_element_type3A_14 : vector<64x16384xbf16> -> vector<64x16384xi16>
    %convert_element_type3A_16 = arith.extui %bitcast_convert_type3A_15 : vector<64x16384xi16> to vector<64x16384xi32>
    %shift_left3A_17 = arith.constant 16 : i32
    %shift_left3A_18 = vector.broadcast %shift_left3A_17 : i32 to vector<64x16384xi32>
    %shift_left3A_19 = arith.shli %convert_element_type3A_16, %shift_left3A_18 : vector<64x16384xi32>
    %get3A_20 = arith.constant 0 : index
    %get3A_21 = arith.constant 0 : index
    %get3A_22 = vector.load %arg4[%get3A_20, %get3A_21] : memref<64x16384xf32, #tpu.memory_space<vmem>>, vector<64x16384xf32>
    %convert_element_type3A_23 = arith.truncf %get3A_22 : vector<64x16384xf32> to vector<64x16384xbf16>
    %bitcast_convert_type3A_24 = tpu.bitcast %convert_element_type3A_23 : vector<64x16384xbf16> -> vector<64x16384xi16>
    %convert_element_type3A_25 = arith.extui %bitcast_convert_type3A_24 : vector<64x16384xi16> to vector<64x16384xi32>
    %or3A_26 = arith.ori %shift_left3A_19, %convert_element_type3A_25 : vector<64x16384xi32>
    %transpose3A = tpu.transpose %or3A, [1, 0] : vector<64x16384xi32> -> vector<16384x64xi32>
    %transpose3A_27 = tpu.transpose %or3A_26, [1, 0] : vector<64x16384xi32> -> vector<16384x64xi32>
    %concatenate3A = tpu.concatenate %transpose3A, %transpose3A_27 in 1 : vector<16384x64xi32>, vector<16384x64xi32> -> vector<16384x128xi32>
    %bitcast_convert_type3A_28 = tpu.bitcast %concatenate3A : vector<16384x128xi32> -> vector<16384x128xf32>
    %swap3A = arith.constant 0 : index
    %swap3A_29 = arith.constant 0 : index
    %swap3A_30 = vector.load %arg5[%swap3A, %swap3A_29] : memref<16384x128xf32, #tpu.memory_space<vmem>>, vector<16384x128xf32>
    tpu.vector_store %arg5[%swap3A, %swap3A_29], %bitcast_convert_type3A_28 {strides = array<i32>} : memref<16384x128xf32, #tpu.memory_space<vmem>>, vector<16384x128xf32>,
    return
  }
  func.func @transform_0(%arg0: i32) -> (i32, i32) {
    %c0_i32 = arith.constant 0 : i32
    %c0_i32_0 = arith.constant 0 : i32
    return %c0_i32, %arg0 : i32, i32
  }
  func.func @transform_1(%arg0: i32) -> (i32, i32) {
    %add3A = arith.constant 16 : i32
    %add3A_0 = arith.addi %arg0, %add3A : i32
    %c0_i32 = arith.constant 0 : i32
    %c0_i32_1 = arith.constant 0 : i32
    return %c0_i32, %add3A_0 : i32, i32
  }
  func.func @transform_2(%arg0: i32) -> (i32, i32) {
    %add3A = arith.constant 32 : i32
    %add3A_0 = arith.addi %arg0, %add3A : i32
    %c0_i32 = arith.constant 0 : i32
    %c0_i32_1 = arith.constant 0 : i32
    return %c0_i32, %add3A_0 : i32, i32
  }
  func.func @transform_3(%arg0: i32) -> (i32, i32) {
    %add3A = arith.constant 48 : i32
    %add3A_0 = arith.addi %arg0, %add3A : i32
    %min3A = arith.constant 61 : i32
    %min3A_1 = arith.minsi %add3A_0, %min3A : i32
    %c0_i32 = arith.constant 0 : i32
    %c0_i32_2 = arith.constant 0 : i32
    return %c0_i32, %min3A_1 : i32, i32
  }
  func.func @transform_4(%arg0: i32) -> (i32, i32) {
    %c0_i32 = arith.constant 0 : i32
    %c0_i32_0 = arith.constant 0 : i32
    return %arg0, %c0_i32 : i32, i32
  }
}

module attributes {stable_mosaic.version = 14 : i64} {
  func.func @_mlp_body(%arg0: i32, %arg1: memref<2048x128xf32, #tpu.memory_space<vmem>>, %arg2: memref<2048x1xi32, #tpu.memory_space<vmem>>, %arg3: memref<2048x1xi32, #tpu.memory_space<vmem>>, %arg4: memref<2048x2xf32, #tpu.memory_space<vmem>>, %arg5: memref<128x32xf32, #tpu.memory_space<vmem>>, %arg6: memref<98x128xf32, #tpu.memory_space<vmem>>, %arg7: memref<1x128xf32, #tpu.memory_space<vmem>>, %arg8: memref<128x128xf32, #tpu.memory_space<vmem>>, %arg9: memref<1x128xf32, #tpu.memory_space<vmem>>, %arg10: memref<2048x128xf32, #tpu.memory_space<vmem>>) attributes {dimension_semantics = [#tpu.dimension_semantics<arbitrary>], iteration_bounds = array<i64: 8>, scalar_prefetch = 0 : i64, scratch_operands = 0 : i64, tpu.core_type = #tpu.core_type<tc>, window_params = [{transform_indices = @transform_0, window_bounds = array<i64: 2048, 128>}, {transform_indices = @transform_1, window_bounds = array<i64: 2048, 1>}, {transform_indices = @transform_2, window_bounds = array<i64: 2048, 1>}, {transform_indices = @transform_3, window_bounds = array<i64: 2048, 2>}, {pipeline_mode = #tpu.pipeline_mode<synchronous>, transform_indices = @transform_4, window_bounds = array<i64: 128, 32>}, {pipeline_mode = #tpu.pipeline_mode<synchronous>, transform_indices = @transform_5, window_bounds = array<i64: 98, 128>}, {pipeline_mode = #tpu.pipeline_mode<synchronous>, transform_indices = @transform_6, window_bounds = array<i64: 1, 128>}, {pipeline_mode = #tpu.pipeline_mode<synchronous>, transform_indices = @transform_7, window_bounds = array<i64: 128, 128>}, {pipeline_mode = #tpu.pipeline_mode<synchronous>, transform_indices = @transform_8, window_bounds = array<i64: 1, 128>}, {transform_indices = @transform_9, window_bounds = array<i64: 2048, 128>}]} {
    %get3A = arith.constant 0 : index
    %get3A_0 = arith.constant 0 : index
    %get3A_1 = vector.load %arg1[%get3A, %get3A_0] : memref<2048x128xf32, #tpu.memory_space<vmem>>, vector<2048x128xf32>
    %bitcast_convert_type3A = tpu.bitcast %get3A_1 : vector<2048x128xf32> -> vector<2048x128xi32>
    %get3A_2 = arith.constant 0 : index
    %get3A_3 = arith.constant 0 : index
    %get3A_4 = vector.load %arg2[%get3A_2, %get3A_3] : memref<2048x1xi32, #tpu.memory_space<vmem>>, vector<2048x1xi32>
    %ge3A = arith.constant 2 : i32
    %ge3A_5 = vector.broadcast %ge3A : i32 to vector<2048x1xi32>
    %ge3A_6 = arith.cmpi sge, %get3A_4, %ge3A_5 : vector<2048x1xi32>
    %slice3A = vector.extract_strided_slice %bitcast_convert_type3A {offsets = [0, 64], sizes = [2048, 64], strides = [1, 1]} : vector<2048x128xi32> to vector<2048x64xi32>
    %slice3A_7 = vector.extract_strided_slice %bitcast_convert_type3A {offsets = [0, 0], sizes = [2048, 64], strides = [1, 1]} : vector<2048x128xi32> to vector<2048x64xi32>
    %broadcast_in_dim3A = vector.shape_cast %ge3A_6 : vector<2048x1xi1> to vector<2048x1xi1>
    %broadcast_in_dim3A_8 = vector.broadcast %broadcast_in_dim3A : vector<2048x1xi1> to vector<2048x64xi1>
    %select_n3A = arith.select %broadcast_in_dim3A_8, %slice3A, %slice3A_7 : vector<2048x64xi1>, vector<2048x64xi32>
    %and3A = arith.constant 1 : i32
    %and3A_9 = vector.broadcast %and3A : i32 to vector<2048x1xi32>
    %and3A_10 = arith.andi %get3A_4, %and3A_9 : vector<2048x1xi32>
    %eq3A = arith.constant 0 : i32
    %eq3A_11 = vector.broadcast %eq3A : i32 to vector<2048x1xi32>
    %eq3A_12 = arith.cmpi eq, %and3A_10, %eq3A_11 : vector<2048x1xi32>
    %and3A_13 = arith.constant -65536 : i32
    %and3A_14 = vector.broadcast %and3A_13 : i32 to vector<2048x64xi32>
    %and3A_15 = arith.andi %select_n3A, %and3A_14 : vector<2048x64xi32>
    %shift_left3A = arith.constant 16 : i32
    %shift_left3A_16 = vector.broadcast %shift_left3A : i32 to vector<2048x64xi32>
    %shift_left3A_17 = arith.shli %select_n3A, %shift_left3A_16 : vector<2048x64xi32>
    %broadcast_in_dim3A_18 = vector.shape_cast %eq3A_12 : vector<2048x1xi1> to vector<2048x1xi1>
    %broadcast_in_dim3A_19 = vector.broadcast %broadcast_in_dim3A_18 : vector<2048x1xi1> to vector<2048x64xi1>
    %select_n3A_20 = arith.select %broadcast_in_dim3A_19, %and3A_15, %shift_left3A_17 : vector<2048x64xi1>, vector<2048x64xi32>
    %bitcast_convert_type3A_21 = tpu.bitcast %select_n3A_20 : vector<2048x64xi32> -> vector<2048x64xf32>
    %get3A_22 = arith.constant 0 : index
    %get3A_23 = arith.constant 0 : index
    %get3A_24 = vector.load %arg6[%get3A_22, %get3A_23] : memref<98x128xf32, #tpu.memory_space<vmem>>, vector<64x128xf32>
    %dot_general3A = arith.constant dense<0.000000e+00> : vector<2048x128xf32>
    %dot_general3A_25 = tpu.matmul %bitcast_convert_type3A_21, %get3A_24, %dot_general3A {dimension_numbers = #tpu.dot_dimension_numbers<[1], [0], [0], [1], [0, 0, 1, 1], [], []>, transpose_lhs_hint = false} : vector<2048x64xf32>, vector<64x128xf32>, vector<2048x128xf32> -> vector<2048x128xf32>
    %get3A_26 = arith.constant 0 : index
    %get3A_27 = arith.constant 0 : index
    %get3A_28 = vector.load %arg3[%get3A_26, %get3A_27] : memref<2048x1xi32, #tpu.memory_space<vmem>>, vector<2048x1xi32>
    %iota3A = tpu.iota {dimensions = array<i32: 1>} : vector<2048x128xi32>
    %eq3A_29 = vector.broadcast %get3A_28 : vector<2048x1xi32> to vector<2048x128xi32>
    %eq3A_30 = arith.cmpi eq, %iota3A, %eq3A_29 : vector<2048x128xi32>
    %jit3A = arith.constant 1.000000e+00 : f32
    %jit3A_31 = arith.constant 0.000000e+00 : f32
    %broadcast_in_dim3A_32 = vector.broadcast %jit3A : f32 to vector<2048x128xf32>
    %broadcast_in_dim3A_33 = vector.broadcast %jit3A_31 : f32 to vector<2048x128xf32>
    %select_n3A_34 = arith.select %eq3A_30, %broadcast_in_dim3A_32, %broadcast_in_dim3A_33 : vector<2048x128xi1>, vector<2048x128xf32>
    %get3A_35 = arith.constant 0 : index
    %get3A_36 = arith.constant 0 : index
    %get3A_37 = vector.load %arg5[%get3A_35, %get3A_36] : memref<128x32xf32, #tpu.memory_space<vmem>>, vector<128x32xf32>
    %get3A_38 = arith.constant 64 : index
    %get3A_39 = arith.constant 0 : index
    %get3A_40 = vector.load %arg6[%get3A_38, %get3A_39] : memref<98x128xf32, #tpu.memory_space<vmem>>, vector<32x128xf32>
    %dot_general3A_41 = arith.constant dense<0.000000e+00> : vector<128x128xf32>
    %dot_general3A_42 = tpu.matmul %get3A_37, %get3A_40, %dot_general3A_41 {dimension_numbers = #tpu.dot_dimension_numbers<[1], [0], [0], [1], [0, 0, 1, 1], [], []>, transpose_lhs_hint = false} : vector<128x32xf32>, vector<32x128xf32>, vector<128x128xf32> -> vector<128x128xf32>
    %dot_general3A_43 = arith.constant dense<0.000000e+00> : vector<2048x128xf32>
    %dot_general3A_44 = tpu.matmul %select_n3A_34, %dot_general3A_42, %dot_general3A_43 {dimension_numbers = #tpu.dot_dimension_numbers<[1], [0], [0], [1], [0, 0, 1, 1], [], []>, transpose_lhs_hint = false} : vector<2048x128xf32>, vector<128x128xf32>, vector<2048x128xf32> -> vector<2048x128xf32>
    %add3A = arith.addf %dot_general3A_25, %dot_general3A_44 : vector<2048x128xf32>
    %get3A_45 = arith.constant 0 : index
    %get3A_46 = arith.constant 0 : index
    %get3A_47 = vector.load %arg4[%get3A_45, %get3A_46] : memref<2048x2xf32, #tpu.memory_space<vmem>>, vector<2048x2xf32>
    %slice3A_48 = vector.extract_strided_slice %get3A_47 {offsets = [0, 0], sizes = [2048, 1], strides = [1, 1]} : vector<2048x2xf32> to vector<2048x1xf32>
    %get3A_49 = arith.constant 96 : index
    %get3A_50 = arith.constant 0 : index
    %get3A_51 = vector.load %arg6[%get3A_49, %get3A_50] : memref<98x128xf32, #tpu.memory_space<vmem>>, vector<1x128xf32>
    %mul3A = vector.broadcast %slice3A_48 : vector<2048x1xf32> to vector<2048x128xf32>
    %mul3A_52 = vector.broadcast %get3A_51 : vector<1x128xf32> to vector<2048x128xf32>
    %mul3A_53 = arith.mulf %mul3A, %mul3A_52 : vector<2048x128xf32>
    %add3A_54 = arith.addf %add3A, %mul3A_53 : vector<2048x128xf32>
    %slice3A_55 = vector.extract_strided_slice %get3A_47 {offsets = [0, 1], sizes = [2048, 1], strides = [1, 1]} : vector<2048x2xf32> to vector<2048x1xf32>
    %get3A_56 = arith.constant 97 : index
    %get3A_57 = arith.constant 0 : index
    %get3A_58 = vector.load %arg6[%get3A_56, %get3A_57] : memref<98x128xf32, #tpu.memory_space<vmem>>, vector<1x128xf32>
    %mul3A_59 = vector.broadcast %slice3A_55 : vector<2048x1xf32> to vector<2048x128xf32>
    %mul3A_60 = vector.broadcast %get3A_58 : vector<1x128xf32> to vector<2048x128xf32>
    %mul3A_61 = arith.mulf %mul3A_59, %mul3A_60 : vector<2048x128xf32>
    %add3A_62 = arith.addf %add3A_54, %mul3A_61 : vector<2048x128xf32>
    %get3A_63 = arith.constant 0 : index
    %get3A_64 = arith.constant 0 : index
    %get3A_65 = vector.load %arg7[%get3A_63, %get3A_64] : memref<1x128xf32, #tpu.memory_space<vmem>>, vector<1x128xf32>
    %add3A_66 = vector.broadcast %get3A_65 : vector<1x128xf32> to vector<2048x128xf32>
    %add3A_67 = arith.addf %add3A_62, %add3A_66 : vector<2048x128xf32>
    %max3A = arith.constant 0.000000e+00 : f32
    %max3A_68 = vector.broadcast %max3A : f32 to vector<2048x128xf32>
    %max3A_69 = arith.maximumf %add3A_67, %max3A_68 : vector<2048x128xf32>
    %get3A_70 = arith.constant 0 : index
    %get3A_71 = arith.constant 0 : index
    %get3A_72 = vector.load %arg8[%get3A_70, %get3A_71] : memref<128x128xf32, #tpu.memory_space<vmem>>, vector<128x128xf32>
    %dot_general3A_73 = arith.constant dense<0.000000e+00> : vector<2048x128xf32>
    %dot_general3A_74 = tpu.matmul %max3A_69, %get3A_72, %dot_general3A_73 {dimension_numbers = #tpu.dot_dimension_numbers<[1], [0], [0], [1], [0, 0, 1, 1], [], []>, transpose_lhs_hint = false} : vector<2048x128xf32>, vector<128x128xf32>, vector<2048x128xf32> -> vector<2048x128xf32>
    %get3A_75 = arith.constant 0 : index
    %get3A_76 = arith.constant 0 : index
    %get3A_77 = vector.load %arg9[%get3A_75, %get3A_76] : memref<1x128xf32, #tpu.memory_space<vmem>>, vector<1x128xf32>
    %add3A_78 = vector.broadcast %get3A_77 : vector<1x128xf32> to vector<2048x128xf32>
    %add3A_79 = arith.addf %dot_general3A_74, %add3A_78 : vector<2048x128xf32>
    %swap3A = arith.constant 0 : index
    %swap3A_80 = arith.constant 0 : index
    %swap3A_81 = vector.load %arg10[%swap3A, %swap3A_80] : memref<2048x128xf32, #tpu.memory_space<vmem>>, vector<2048x128xf32>
    tpu.vector_store %arg10[%swap3A, %swap3A_80], %add3A_79 {strides = array<i32>} : memref<2048x128xf32, #tpu.memory_space<vmem>>, vector<2048x128xf32>,
    return
  }
  func.func @transform_0(%arg0: i32) -> (i32, i32) {
    %c0_i32 = arith.constant 0 : i32
    %c0_i32_0 = arith.constant 0 : i32
    return %arg0, %c0_i32 : i32, i32
  }
  func.func @transform_1(%arg0: i32) -> (i32, i32) {
    %c0_i32 = arith.constant 0 : i32
    %c0_i32_0 = arith.constant 0 : i32
    return %arg0, %c0_i32 : i32, i32
  }
  func.func @transform_2(%arg0: i32) -> (i32, i32) {
    %c0_i32 = arith.constant 0 : i32
    %c0_i32_0 = arith.constant 0 : i32
    return %arg0, %c0_i32 : i32, i32
  }
  func.func @transform_3(%arg0: i32) -> (i32, i32) {
    %c0_i32 = arith.constant 0 : i32
    %c0_i32_0 = arith.constant 0 : i32
    return %arg0, %c0_i32 : i32, i32
  }
  func.func @transform_4(%arg0: i32) -> (i32, i32) {
    %c0_i32 = arith.constant 0 : i32
    %c0_i32_0 = arith.constant 0 : i32
    %c0_i32_1 = arith.constant 0 : i32
    return %c0_i32, %c0_i32_0 : i32, i32
  }
  func.func @transform_5(%arg0: i32) -> (i32, i32) {
    %c0_i32 = arith.constant 0 : i32
    %c0_i32_0 = arith.constant 0 : i32
    %c0_i32_1 = arith.constant 0 : i32
    return %c0_i32, %c0_i32_0 : i32, i32
  }
  func.func @transform_6(%arg0: i32) -> (i32, i32) {
    %c0_i32 = arith.constant 0 : i32
    %c0_i32_0 = arith.constant 0 : i32
    %c0_i32_1 = arith.constant 0 : i32
    return %c0_i32, %c0_i32_0 : i32, i32
  }
  func.func @transform_7(%arg0: i32) -> (i32, i32) {
    %c0_i32 = arith.constant 0 : i32
    %c0_i32_0 = arith.constant 0 : i32
    %c0_i32_1 = arith.constant 0 : i32
    return %c0_i32, %c0_i32_0 : i32, i32
  }
  func.func @transform_8(%arg0: i32) -> (i32, i32) {
    %c0_i32 = arith.constant 0 : i32
    %c0_i32_0 = arith.constant 0 : i32
    %c0_i32_1 = arith.constant 0 : i32
    return %c0_i32, %c0_i32_0 : i32, i32
  }
  func.func @transform_9(%arg0: i32) -> (i32, i32) {
    %c0_i32 = arith.constant 0 : i32
    %c0_i32_0 = arith.constant 0 : i32
    return %arg0, %c0_i32 : i32, i32
  }
}

</mosaic_0001>

<sc_bundles>
// kernel: kernel.5.cloned.1.call-start
scs
__scs_entry_jumppad:
0x0: {  	(pc) =	sbr.rel $0x88, $3  }
0x1: {  	(tag) =	ssettag $0x0;
	lr =	simm.s32 $0x1  }
0x2: {  	[smem:$0x3F98] =	sst lr;
	_ =	strace $0xD0000000  }
0x3: {  	_ = 	snop  }
0x4: {  	_ = 	snop  }
0x5: {  	_ = 	snop  }
0x6: {  	_ = 	snop  }
0x7: {  	_ = 	snop  }
__scs_overlays_trampoline_lowered:
0x8: {  	[smem:$0x3FA7] =	sst s0  }
0x9: {  	[smem:$0x3FA8] =	sst s1  }
0xa: {  	[smem:$0x3FA9] =	sst s2  }
0xb: {  	[smem:$0x3FAA] =	sst s3  }
0xc: {  	[smem:$0x3FAB] =	sst s4  }
0xd: {  	[smem:$0x3FAC] =	sst s5  }
0xe: {  	[smem:$0x3FAD] =	sst s6  }
0xf: {  	[smem:$0x3FAE] =	sst s7  }
0x10: {  	[smem:$0x3FAF] =	sst s8  }
0x11: {  	[smem:$0x3FB0] =	sst s9;
	s0 =	simm.s32 @!p0 $0x0  }
0x12: {  	s1 =	sld [smem:$0x3F96];
	s0 =	simm.s32 @p0 $0x1  }
0x13: {  	[smem:$0x3FB1] =	sst s0;
	s0 =	simm.s32 @!p1 $0x0  }
0x14: {  	s2 =	sld [smem:$0x3F95];
	s0 =	simm.s32 @p1 $0x1  }
0x15: {  	[smem:$0x3FB2] =	sst s0;
	s0 =	simm.s32 @!p2 $0x0  }
0x16: {  	s3 =	sld [smem:$0x3FDB];
	s0 =	simm.s32 @p2 $0x1  }
0x17: {  	s4 =	simm.s32 $0x1BF5;
	[smem:$0x3FB4] =	sst s0  }
0x18: {  	s0 =	sld [smem:$0x3F97];
	_ =	swait.ge [sflag:s4], $0x0  }
0x19: {  	s7 =	sld [smem:$0x3F98]  }
0x1a: {  	s8 =	sadd.s32 $0xFFFFE003, lr  }
0x1b: {  	s9 =	sadd.s32 $0xFFFFFEF7, lr;
	s5 =	simm.s32 $0xFFFFFFFF;
	p2 =	slt.u32 s8, $0xFFFFF086  }
0x1c: {  	p1 =	slt.u32 s9, $0xF7A;
	s5 =	simm.s32 @!p2 $0x0  }
0x1d: {  	s5 =	simm.s32 @p1 $0x1;
	p0 =	seq.s32 s7, s2  }
0x1e: {  	s7 =	smul.u32 @!p0 $0xF7A, s2;
	p2 =	seq.s32 @!p0 s5, $0x0  }
0x1f: {  	s9 =	smul.u32 $0xF7A, s1;
	s8 =	simm.s32 @!p0 $0x1BF5;
	p2 =	por !p2, p0  }
0x20: {  	[sflag:s8] =	ssyncset.s32 @!p0 $0xFFFFF086;
	s6 =	sadd.s32 @!p0 s3, s7;
	s7 =	simm.s32 @!p0 $0x108  }
0x21: {  	s3 =	sadd.s32 s3, s9;
	s6 =	sadd.s32 @!p0 $0x88, s6;
	s7 =	simm.s32 @p2 $0x1082  }
0x22: {  	[simem:s7], [sflag:s8] =	dma.local @!p0 [hbm:s6], $0xF7A  }
0x23: {  	s9 =	sor.u32 $0xD0000000, s2;
	s6 =	simm.s32 $0x108;
	_ =	swait.ge @!p0 [sflag:s8], $0x0  }
0x24: {  	s3 =	sadd.s32 $0x88, s3;
	s6 =	simm.s32 @!p1 $0x1082;
	[sflag:s4] =	ssyncset.s32 $0xFFFFF086  }
0x25: {  	[simem:s6], [sflag:s4] =	dma.local [hbm:s3], $0xF7A  }
0x26: {  	[smem:$0x3F98] =	sst s1;
	(tag) =	ssettag s2;
	_ =	strace s9  }
0x27: {  	s1 =	sld [smem:$0x3FA8]  }
0x28: {  	s2 =	sld [smem:$0x3FA9]  }
0x29: {  	s4 =	sld [smem:$0x3FAB]  }
0x2a: {  	p0 =	seq.s32 s5, $0x0;
	s5 =	sld [smem:$0x3FAC]  }
0x2b: {  	s6 =	sld [smem:$0x3FAD]  }
0x2c: {  	s7 =	sld [smem:$0x3FAE]  }
0x2d: {  	s3 =	simm.s32 $0x108;
	s8 =	sld [smem:$0x3FAF]  }
0x2e: {  	s3 =	simm.s32 @!p0 $0x1082;
	s9 =	sld [smem:$0x3FB0]  }
0x2f: {  	lr =	sadd.s32 s0, s3;
	s0 =	sld [smem:$0x3FA7]  }
0x30: {  	s3 =	sld [smem:$0x3FAA]  }
0x31: {  	[smem:$0x3FB3] =	sst s10  }
0x32: {  	s10 =	sld [smem:$0x3FB1];
	_ =	sdelay $0x3  }
0x33: {  	p0 =	seq.s32 s10, $0x1;
	s10 =	sld [smem:$0x3FB3];
	_ =	sdelay $0x3  }
0x34: {  	[smem:$0x3FB3] =	sst s10  }
0x35: {  	s10 =	sld [smem:$0x3FB2];
	_ =	sdelay $0x3  }
0x36: {  	p1 =	seq.s32 s10, $0x1;
	s10 =	sld [smem:$0x3FB3];
	_ =	sdelay $0x3  }
0x37: {  	[smem:$0x3FB3] =	sst s10  }
0x38: {  	s10 =	sld [smem:$0x3FB4]  }
0x39: {  	_ = 	snop;
	(pc) =	sbr.ind lr, $3  }
0x3a: {  	_ = 	snop  }
0x3b: {  	_ = 	snop  }
0x3c: {  	p2 =	seq.s32 s10, $0x1;
	s10 =	sld [smem:$0x3FB3]  }
0x3d: {  	_ =	shalt  }
0x3e: {  	_ =	shalt  }
0x3f: {  	_ =	shalt  }
0x40: {  	_ =	shalt  }
0x41: {  	_ =	shalt  }
0x42: {  	_ =	shalt  }
0x43: {  	_ =	shalt  }
0x44: {  	_ =	shalt  }
0x45: {  	_ =	shalt  }
0x46: {  	_ =	shalt  }
0x47: {  	_ =	shalt  }
0x48: {  	_ =	shalt  }
0x49: {  	_ =	shalt  }
0x4a: {  	_ =	shalt  }
0x4b: {  	_ =	shalt  }
0x4c: {  	_ =	shalt  }
0x4d: {  	_ =	shalt  }
0x4e: {  	_ =	shalt  }
0x4f: {  	_ =	shalt  }
0x50: {  	_ =	shalt  }
0x51: {  	_ =	shalt  }
0x52: {  	_ =	shalt  }
0x53: {  	_ =	shalt  }
0x54: {  	_ =	shalt  }
0x55: {  	_ =	shalt  }
0x56: {  	_ =	shalt  }
0x57: {  	_ =	shalt  }
0x58: {  	_ =	shalt  }
0x59: {  	_ =	shalt  }
0x5a: {  	_ =	shalt  }
0x5b: {  	_ =	shalt  }
0x5c: {  	_ =	shalt  }
0x5d: {  	_ =	shalt  }
0x5e: {  	_ =	shalt  }
0x5f: {  	_ =	shalt  }
0x60: {  	_ =	shalt  }
0x61: {  	_ =	shalt  }
0x62: {  	_ =	shalt  }
0x63: {  	_ =	shalt  }
0x64: {  	_ =	shalt  }
0x65: {  	_ =	shalt  }
0x66: {  	_ =	shalt  }
0x67: {  	_ =	shalt  }
0x68: {  	_ =	shalt  }
0x69: {  	_ =	shalt  }
0x6a: {  	_ =	shalt  }
0x6b: {  	_ =	shalt  }
0x6c: {  	_ =	shalt  }
0x6d: {  	_ =	shalt  }
0x6e: {  	_ =	shalt  }
0x6f: {  	_ =	shalt  }
0x70: {  	_ =	shalt  }
0x71: {  	_ =	shalt  }
0x72: {  	_ =	shalt  }
0x73: {  	_ =	shalt  }
0x74: {  	_ =	shalt  }
0x75: {  	_ =	shalt  }
0x76: {  	_ =	shalt  }
0x77: {  	_ =	shalt  }
0x78: {  	_ =	shalt  }
0x79: {  	_ =	shalt  }
0x7a: {  	_ =	shalt  }
0x7b: {  	_ =	shalt  }
0x7c: {  	_ =	shalt  }
0x7d: {  	_ =	shalt  }
0x7e: {  	_ =	shalt  }
0x7f: {  	_ =	shalt  }
0x80: {  	_ =	shalt  }
0x81: {  	_ =	shalt  }
0x82: {  	_ =	shalt  }
0x83: {  	_ =	shalt  }
0x84: {  	_ =	shalt  }
0x85: {  	_ =	shalt  }
0x86: {  	_ =	shalt  }
0x87: {  	_ =	shalt  }
.Lfunc_end0:
.L_simem_size_0:
called_computation_lowered:
.L_overlay_start_0:
0x88: {  	s2 =	sld [smem:$0x3FD9]  }
0x89: {  	s3 =	sld [smem:$0x3FFE];
	_ =	sdelay $0x1  }
0x8a: {  	s1 =	srdreg.scid  }
0x8b: {  	s0 =	sand.u32 $0x1, s1  }
0x8c: {  	s17 =	sshll.u32 s0, $0xA;
	s2 =	sadd.s32 s3, s2  }
0x8d: {  	s2 =	sadd.s32 s2, s17  }
0x8e: {  	[smem:$0x3FBF] =	sst s2  }
0x8f: {  	_ = 	snop  }
0x90: {  	s2 =	sld [smem:$0x3FD0];
	(tm) =	ssettm $0x1  }
0x91: {  	s18 =	sld [smem:$0x3FFB];
	_ =	sdelay $0x3  }
0x92: {  	_ =	strace s18  }
0x93: {  	s3 =	sld [smem:$0x3FFC];
	_ =	sdelay $0x3  }
0x94: {  	_ =	strace s3  }
0x95: {  	s3 =	sld [smem:$0x3FFD];
	_ =	sdelay $0x3  }
0x96: {  	_ =	strace s3  }
0x97: {  	_ =	strace $0x8FFFFFFF  }
0x98: {  	s19 =	sld [smem:$0x3FDB];
	_ =	sdelay $0x1  }
0x99: {  	s4 =	simm.s32 $_scs_section_size  }
0x9a: {  	s5 =	simm.s32 $_size__tile_overlayer_lowered;
	s6 =	simm.s32 $_tile_overlayer_lowered  }
0x9b: {  	s22 =	simm.s32 $0x1BFF;
	s21 =	sshll.u32 s6, $0x1;
	s3 =	sadd.s32 s4, s19  }
0x9c: {  	s7 =	simm.s32 $0x0;
	s20 =	sshll.u32 s5, $0x1;
	s5 =	sadd.s32 s21, s3  }
0x9d: {  	[timem:s7], [sflag:s22] =	dma.local [hbm:s5], s20  }
0x9e: {  	_ =	swait.ge [sflag:s22], s20  }
0x9f: {  	s4 =	ssub.s32 $0x0, s20;
	[sflag:s22] =	ssyncset.done $0x0  }
0xa0: {  	[sflag:s22] =	ssyncadd.s32 s4;
	_ =	sdelay $0x1  }
0xa1: {  	s23 =	simm.s32 $0x1B8B  }
0xa2: {  	_ =	swait.ge [sflag:s23], $0x1  }
0xa3: {  	[sflag:s23] =	ssyncset.done $0x0  }
0xa4: {  	s25 =	simm.s32 $0x1B8E;
	s24 =	sld [smem:$0x3FFE];
	[sflag:s23] =	ssyncadd.s32 $0xFFFFFFFF  }
0xa5: {  	s26 =	simm.s32 $execute0_lowered;
	[smem:$0x3FD2] =	sst s25  }
0xa6: {  	s5 =	sshll.u32 s26, $0x1;
	_ =	strace $0x80000046;
	[dreg:$0x1] =	wrdreg $0xFFFFFFFF  }
0xa7: {  	s28 =	simm.s32 $_size_execute0_lowered;
	s3 =	sadd.s32 s3, s5;
	[dreg:$0x0] =	wrdreg $0x0  }
0xa8: {  	s5 =	sshll.u32 s28, $0x1;
	[dreg:$0x2] =	wrdreg s3  }
0xa9: {  	[dreg:$0x3] =	wrdreg s5  }
0xaa: {  	[dreg:$0x4] =	wrdreg $0xC0  }
0xab: {  	_ =	task [dreg:s7], $0x5FFFF  }
0xac: {  	[dreg:$0x1] =	wrdreg $0xFFFFFFFF  }
0xad: {  	[dreg:$0x0] =	wrdreg $0x60  }
0xae: {  	[dreg:$0x2] =	wrdreg s24  }
0xaf: {  	[dreg:$0x3] =	wrdreg s2  }
0xb0: {  	[dreg:$0x4] =	wrdreg $0x9  }
0xb1: {  	_ =	task.clear_ibuf [dreg:s7], $0x5FFFF;
	_ =	strace $0x90000046  }
0xb2: {  	s29 =	simm.s32 $0x9;
	_ =	strace $0x80000048  }
0xb3: {  	_ =	swait.ge [sflag:s29], $0x1  }
0xb4: {  	[sflag:s29] =	ssyncadd.s32 $0xFFFFFFFF  }
0xb5: {  	_ =	strace $0x90000048  }
0xb6: {  	_ =	sfence  }
0xb7: {  	s30 =	sld [smem:$0x0];
	_ =	sdelay $0x2  }
0xb8: {  	s31 =	sshll.u32 s1, $0xD;
	s1 =	sshrl.u32 s1, $0x2  }
0xb9: {  	s3 =	sand.u32 $0x4000, s31;
	s1 =	sadd.s32 s1, s30  }
0xba: {  	s0 =	sor.u32 s3, s0;
	s1 =	sshll.u32 s1, $0x11  }
0xbb: {  	s0 =	sor.u32 s1, s0  }
0xbc: {  	s0 =	sadd.s32 $0x8F2B, s0  }
0xbd: {  	[sflag:s0] =	ssyncadd.remote.s32 $0x1  }
0xbe: {  	_ =	sfence.sel $0xFFFF  }
0xbf: {  	[dreg:$0x0] =	wrdreg $0xFFFFFFFF;
	(pc) =	sbr.abs _section_cstart, $3  }
0xc0: {  	[dreg:$0x1] =	wrdreg $0xFFFFFFFF  }
0xc1: {  	_ =	task.clear_ibuf [dreg:s7], $0x2FFFF;
	_ =	strace $0x9FFFFFFF  }
0xc2: {  	(tm) =	ssettm $0x7FFFFFFF  }
0xc3: {  	_ =	shalt  }
tec
execute0_lowered:
.L_overlay_start_1:
0x0: {  	(tag) =	ssettag $0x1  }
0x1: {  	s1 =	srdreg.scid  }
0x2: {  	s0 =	stileid.u32;
	s6 =	sand.u32 $0x1, s1  }
0x3: {  	s5 =	rddreg [dreg:$0x0];
	s30 =	sshll.u32 s0, $0xA;
	s2 =	sshll.u32 s6, $0x9  }
0x4: {  	s8 =	rddreg [dreg:$0x1];
	s9 =	sor.u32 s2, s30  }
0x5: {  	s1 =	rddreg [dreg:$0x2];
	s2 =	simm.s32 $0x0;
	s3 =	sshrl.u32 s9, $0x3  }
0x6: {  	s10 =	ssub.s32 $0x2, s6;
	[smem:$0x7FF] =	sst s2;
	s3 =	sadd.s32 s3, s5  }
0x7: {  	_ =	strace $0x80000047;
	s4 =	sadd.s32 $0x2000, s3;
	s3 =	simm.s32 $0x2  }
0x8: {  	[tilespmem:s2], [sflag:$0x2] =	stream.linear.gather [hbm4b:s4+s2], $0x200, $0x38;
	[tilespmem:$0x10200] =	vst v63  }
0x9: {  	s7 =	simm.s32 $0x1;
	s11 =	sshrl.u32 s10, $0x1;
	_ =	swait.ge [sflag:s3], $0x200  }
0xa: {  	s6 =	simm.s32 $0x200;
	s10 =	ssub.s32 s10, s11;
	[sflag:s3] =	ssyncset.done $0x0  }
0xb: {  	s5 =	sadd.s32 $0x2800, s5;
	s31 =	smax.u32 s10, $0x1;
	[sflag:s3] =	ssyncadd.s32 $0xFFFFFE00  }
0xc: {  	[tilespmem:s6], [sflag:$0x1] =	stream.indirect.gather [hbm4b:s5+s6], $0x80, s2, s6, $0xb8;
	[tilespmem:$0x10200] =	vst v63  }
0xd: {  	p0 =	sne.s32 s31, $0x1;
	_ =	swait.ge [sflag:s7], $0x10000  }
.Ltmp0:
0xe: {  	s9 =	sshll.u32 s9, $0x4;
	[sflag:s7] =	ssyncset.done $0x0;
	(pc) =	sbr.rel @!p0 .LBB2_2-.Ltmp0, $4  }
0xf: {  	s8 =	sadd.s32 s8, s9;
	[sflag:s7] =	ssyncadd.s32 $0xFFFF0000  }
0x10: {  	[hbm4b:s8+s2] =	stream.linear.scatter [tilespmem:s6], [sflag:$0x2], $0x10000, $0x38;
	[tilespmem:$0x10200] =	vst v63  }
0x11: {  	_ =	swait.ge [sflag:s3], $0x10000  }
0x12: {  	s9 =	sadd.s32 $0xFFFFFFFF, s31;
	[sflag:s3] =	ssyncset.done $0x0  }
.LBB2_1:
0x13: {  	p0 =	sne.s32 s9, $0x1;
	s9 =	sadd.s32 $0xFFFFFFFF, s9;
	[sflag:s3] =	ssyncadd.s32 $0xFFFF0000  }
0x14: {  	[tilespmem:s2], [sflag:$0x2] =	stream.linear.gather [hbm4b:s4+s2], $0x200, $0x38;
	[tilespmem:$0x10200] =	vst v63  }
0x15: {  	_ =	swait.ge [sflag:s3], $0x200  }
0x16: {  	[sflag:s3] =	ssyncset.done $0x0  }
0x17: {  	[sflag:s3] =	ssyncadd.s32 $0xFFFFFE00  }
0x18: {  	[tilespmem:s6], [sflag:$0x1] =	stream.indirect.gather [hbm4b:s5+s6], $0x80, s2, s6, $0xb8;
	[tilespmem:$0x10200] =	vst v63  }
0x19: {  	_ =	swait.ge [sflag:s7], $0x10000  }
.Ltmp1:
0x1a: {  	[sflag:s7] =	ssyncset.done $0x0;
	(pc) =	sbr.rel @p0 .LBB2_1-.Ltmp1, $4  }
0x1b: {  	[sflag:s7] =	ssyncadd.s32 $0xFFFF0000  }
0x1c: {  	[hbm4b:s8+s2] =	stream.linear.scatter [tilespmem:s6], [sflag:$0x2], $0x10000, $0x38;
	[tilespmem:$0x10200] =	vst v63  }
0x1d: {  	_ =	swait.ge [sflag:s3], $0x10000  }
0x1e: {  	[sflag:s3] =	ssyncset.done $0x0  }
.LBB2_2:
0x1f: {  	[sflag:s3] =	ssyncadd.s32 $0xFFFF0000  }
0x20: {  	_ =	sfence.sel $0x180000  }
0x21: {  	[bflag:$0x0] =	sbarrier.arrive $0xFFFF  }
0x22: {  	p0 =	sne.s32 s0, $0x0;
	_ =	strace $0x90000047  }
0x23: {  	s0 =	sadd.s32 @!p0 $0x100000, s1;
	[bflag:$0x2] =	sbarrier.arrive $0xFFFF  }
0x24: {  	[sflag:s0] =	ssyncadd.tile.s32 @!p0 $0x1;
	_ =	shalt  }
.Lfunc_end2:
_tile_overlayer_lowered:
.L_overlay_start_2:
0x25: {  	(tag) =	ssettag $0x2  }
0x26: {  	s0 =	rddreg [dreg:$0x0];
	s2 =	stileid.u32  }
0x27: {  	s1 =	rddreg [dreg:$0x1];
	p0 =	sne.s32 s2, $0x0  }
0x28: {  	s3 =	rddreg [dreg:$0x2];
	[bflag:$0x3] =	sbarrier.arrive $0xFFFF;
	s2 =	simm.s32 @!p0 $0x1C02  }
0x29: {  	[timem:s3], [sflag:s2] =	dma.local @!p0 [hbm:s0], s1  }
0x2a: {  	s0 =	simm.s32 @!p0 $0x2  }
0x2b: {  	_ =	swait.ge @!p0 [sflag:s0], s1  }
0x2c: {  	s1 =	ssub.s32 @!p0 $0x0, s1;
	[sflag:s0] =	ssyncset.done @!p0 $0x0  }
0x2d: {  	[sflag:s0] =	ssyncadd.s32 @!p0 s1  }
0x2e: {  	[bflag:$0x3] =	sbarrier.arrive $0xFFFF  }
0x2f: {  	_ =	shalt  }

</sc_bundles>
